<compile_context>
chip_gen: v7x
topology: tpu7x:2x2x1
jax: 0.10.2.dev20260603
libtpu: 0.0.44.dev20260713+nightly
codegen_flags: <defaults>
</compile_context>

<pallas_src>
import functools

import jax
import jax.numpy as jnp
from jax import lax
from jax.experimental import pallas as pl
from jax.experimental.pallas import tpu as pltpu
from jax.experimental.pallas import tpu_sc as plsc

N = 10000
E = 320000
D = 128
NPAD = 10112
NC, NS = 2, 16
NW = NC * NS
CHUNK = 88
NCHW = 116
EPAD = NW * NCHW * CHUNK
RPS = NPAD // NS
NBUF = 3
BLK = 2000


_mesh = plsc.VectorSubcoreMesh(core_axis_name="c", subcore_axis_name="s")


@functools.partial(
    pl.kernel,
    out_type=jax.ShapeDtypeStruct((NC * NPAD,), jnp.float32),
    mesh=_mesh,
    scratch_types=[
        pltpu.VMEM_SHARED((NPAD,), jnp.float32),
        pltpu.VMEM((80, 128), jnp.int32),
        pltpu.VMEM((128,), jnp.float32),
        pltpu.VMEM((NPAD,), jnp.float32),
        pltpu.SemaphoreType.DMA,
    ],
)
def _deg_kernel_128(dstr_hbm, zeros1_hbm, ones1_hbm, out_hbm, acc, dsti, ones_v,
                    bounce, sem):
    c = lax.axis_index("c")
    s = lax.axis_index("s")
    w = c * NS + s
    row0 = pl.multiple_of(s * RPS, 8)
    pltpu.sync_copy(dstr_hbm.at[w], dsti)
    pltpu.sync_copy(ones1_hbm, ones_v)
    pltpu.sync_copy(zeros1_hbm.at[pl.ds(row0, RPS)], bounce.at[pl.ds(0, RPS)])
    pltpu.sync_copy(bounce.at[pl.ds(0, RPS)], acc.at[pl.ds(row0, RPS)])
    plsc.subcore_barrier()

    def fire(j, carry):
        pltpu.async_copy(ones_v, acc.at[dsti.at[j]], sem, add=True)
        return carry

    lax.fori_loop(0, 80, fire, 0)

    def drain(j, carry):
        pltpu.make_async_copy(ones_v, acc.at[dsti.at[0]], sem).wait()
        return carry

    lax.fori_loop(0, 80, drain, 0)
    plsc.subcore_barrier()

    @pl.when(s == 0)
    def _():
        out0 = pl.multiple_of(c * NPAD, 8)
        pltpu.sync_copy(acc, bounce)
        pltpu.sync_copy(bounce, out_hbm.at[pl.ds(out0, NPAD)])


@functools.partial(
    pl.kernel,
    out_type=jax.ShapeDtypeStruct((NC, NPAD, D), jnp.float32),
    mesh=_mesh,
    scratch_types=[
        pltpu.VMEM_SHARED((NPAD, D), jnp.float32),
        pltpu.VMEM((NCHW, CHUNK), jnp.int32),
        pltpu.VMEM((CHUNK,), jnp.int32),
        pltpu.VMEM((CHUNK,), jnp.int32),
        pltpu.VMEM((CHUNK,), jnp.int32),
        pltpu.VMEM((CHUNK, D), jnp.float32),
        pltpu.VMEM((CHUNK, D), jnp.float32),
        pltpu.VMEM((CHUNK, D), jnp.float32),
        pltpu.SemaphoreType.DMA,
        pltpu.SemaphoreType.DMA,
        pltpu.SemaphoreType.DMA,
        pltpu.SemaphoreType.DMA,
        pltpu.SemaphoreType.DMA,
        pltpu.SemaphoreType.DMA,
        pltpu.SemaphoreType.DMA,
        pltpu.SemaphoreType.DMA,
        pltpu.SemaphoreType.DMA,
    ],
)
def _edge_kernel(g_hbm, srcr_hbm, dstf_hbm, zeros_hbm, out_hbm,
                 acc, srci, dstv0, dstv1, dstv2, rows0, rows1, rows2,
                 gsem0, gsem1, gsem2, ssem0, ssem1, ssem2,
                 isem0, isem1, isem2):
    c = lax.axis_index("c")
    s = lax.axis_index("s")
    w = c * NS + s
    row0 = pl.multiple_of(s * RPS, 8)
    pltpu.sync_copy(srcr_hbm.at[w], srci)
    pltpu.sync_copy(zeros_hbm.at[pl.ds(row0, RPS)], acc.at[pl.ds(row0, RPS)])
    plsc.subcore_barrier()

    dstv = (dstv0, dstv1, dstv2)
    rows = (rows0, rows1, rows2)
    gsem = (gsem0, gsem1, gsem2)
    ssem = (ssem0, ssem1, ssem2)
    isem = (isem0, isem1, isem2)
    ebase = w * (NCHW * CHUNK)

    def idx_src(j):
        return dstf_hbm.at[pl.ds(pl.multiple_of(ebase + j * CHUNK, 8), CHUNK)]

    def start_idx(j, b):
        pltpu.async_copy(idx_src(j), dstv[b], isem[b])

    def wait_idx(j, b):
        pltpu.make_async_copy(idx_src(j), dstv[b], isem[b]).wait()

    def start_gather(j, b):
        pltpu.async_copy(g_hbm.at[srci.at[j]], rows[b], gsem[b])

    def wait_gather(j, b):
        pltpu.make_async_copy(g_hbm.at[srci.at[j]], rows[b], gsem[b]).wait()

    def start_scatter(j, b):
        pltpu.async_copy(rows[b], acc.at[dstv[b]], ssem[b], add=True)

    def wait_scatter(j, b):
        pltpu.make_async_copy(rows[b], acc.at[dstv[b]], ssem[b]).wait()

    def step(j, b, first=False, issue=True):
        b2 = (b + 2) % NBUF
        wait_gather(j, b)
        wait_idx(j, b)
        start_scatter(j, b)
        if not first:
            wait_scatter(j - 1, b2)
        if issue:
            start_idx(j + 2, b2)
            start_gather(j + 2, b2)

    start_idx(0, 0)
    start_idx(1, 1)
    start_gather(0, 0)
    start_gather(1, 1)
    step(0, 0, first=True)
    step(1, 1)
    step(2, 2)

    def body(k, carry):
        j0 = 3 + k * NBUF
        for b in range(NBUF):
            step(j0 + b, b)
        return carry

    lax.fori_loop(0, (NCHW - 5) // NBUF, body, 0)

    step(NCHW - 2, (NCHW - 2) % NBUF, issue=False)
    step(NCHW - 1, (NCHW - 1) % NBUF, issue=False)
    wait_scatter(NCHW - 1, (NCHW - 1) % NBUF)

    plsc.subcore_barrier()
    pltpu.sync_copy(acc.at[pl.ds(row0, RPS)], out_hbm.at[c, pl.ds(row0, RPS)])


def _h_body(x_ref, w_ref, h_ref):
    h_ref[...] = jnp.dot(x_ref[...], w_ref[...], preferred_element_type=jnp.float32)


def _h_call(x, W):
    return pl.pallas_call(
        _h_body,
        grid=(N // BLK,),
        in_specs=[
            pl.BlockSpec((BLK, D), lambda i: (i, 0)),
            pl.BlockSpec((D, D), lambda i: (0, 0)),
        ],
        out_specs=pl.BlockSpec((BLK, D), lambda i: (i, 0)),
        out_shape=jax.ShapeDtypeStruct((N, D), jnp.float32),
    )(x, W)


def _scale_body(h_ref, degt_ref, g_ref, dinv_ref):
    deg = degt_ref[:, 0:1] + degt_ref[:, 1:2] + 1.0
    dinv = lax.rsqrt(deg)
    g_ref[...] = h_ref[...] * dinv
    dinv_ref[...] = dinv


def _scale_call(h, degt):
    return pl.pallas_call(
        _scale_body,
        grid=(N // BLK,),
        in_specs=[
            pl.BlockSpec((BLK, D), lambda i: (i, 0)),
            pl.BlockSpec((BLK, NC), lambda i: (i, 0)),
        ],
        out_specs=[
            pl.BlockSpec((BLK, D), lambda i: (i, 0)),
            pl.BlockSpec((BLK, 1), lambda i: (i, 0)),
        ],
        out_shape=[
            jax.ShapeDtypeStruct((N, D), jnp.float32),
            jax.ShapeDtypeStruct((N, 1), jnp.float32),
        ],
    )(h, degt)


def _g1_body(x_ref, w_ref, degt_ref, g_ref, dinv_ref):
    deg = degt_ref[:, 0:1] + degt_ref[:, 1:2] + 1.0
    dinv = lax.rsqrt(deg)
    h = jnp.dot(x_ref[...], w_ref[...], preferred_element_type=jnp.float32)
    g_ref[...] = h * dinv
    dinv_ref[...] = dinv


def _g1_call(x, W1, degt):
    return pl.pallas_call(
        _g1_body,
        grid=(N // BLK,),
        in_specs=[
            pl.BlockSpec((BLK, D), lambda i: (i, 0)),
            pl.BlockSpec((D, D), lambda i: (0, 0)),
            pl.BlockSpec((BLK, NC), lambda i: (i, 0)),
        ],
        out_specs=[
            pl.BlockSpec((BLK, D), lambda i: (i, 0)),
            pl.BlockSpec((BLK, 1), lambda i: (i, 0)),
        ],
        out_shape=[
            jax.ShapeDtypeStruct((N, D), jnp.float32),
            jax.ShapeDtypeStruct((N, 1), jnp.float32),
        ],
    )(x, W1, degt)


def _mid_body(sp_ref, g_ref, dinv_ref, b_ref, w_ref, out_ref):
    t = sp_ref[0] + sp_ref[1] + g_ref[...]
    t = jnp.maximum(t * dinv_ref[...] + b_ref[...], 0.0)
    out_ref[...] = (
        jnp.dot(t, w_ref[...], preferred_element_type=jnp.float32) * dinv_ref[...]
    )


def _mid_call(sp, g, dinv, b, W):
    return pl.pallas_call(
        _mid_body,
        grid=(N // BLK,),
        in_specs=[
            pl.BlockSpec((NC, BLK, D), lambda i: (0, i, 0)),
            pl.BlockSpec((BLK, D), lambda i: (i, 0)),
            pl.BlockSpec((BLK, 1), lambda i: (i, 0)),
            pl.BlockSpec((1, D), lambda i: (0, 0)),
            pl.BlockSpec((D, D), lambda i: (0, 0)),
        ],
        out_specs=pl.BlockSpec((BLK, D), lambda i: (i, 0)),
        out_shape=jax.ShapeDtypeStruct((N, D), jnp.float32),
    )(sp, g, dinv, b, W)


def _fin_body(sp_ref, g_ref, dinv_ref, b_ref, w_ref, bp_ref, out_ref):
    t = sp_ref[0] + sp_ref[1] + g_ref[...]
    t = jnp.maximum(t * dinv_ref[...] + b_ref[...], 0.0)
    out_ref[...] = (
        jnp.dot(t, w_ref[...], preferred_element_type=jnp.float32) + bp_ref[...]
    )


def _fin_call(sp, g, dinv, b, Wp, bp):
    n_out = Wp.shape[1]
    return pl.pallas_call(
        _fin_body,
        grid=(N // BLK,),
        in_specs=[
            pl.BlockSpec((NC, BLK, D), lambda i: (0, i, 0)),
            pl.BlockSpec((BLK, D), lambda i: (i, 0)),
            pl.BlockSpec((BLK, 1), lambda i: (i, 0)),
            pl.BlockSpec((1, D), lambda i: (0, 0)),
            pl.BlockSpec((D, n_out), lambda i: (0, 0)),
            pl.BlockSpec((1, n_out), lambda i: (0, 0)),
        ],
        out_specs=pl.BlockSpec((BLK, n_out), lambda i: (i, 0)),
        out_shape=jax.ShapeDtypeStruct((N, n_out), jnp.float32),
    )(sp, g, dinv, b, Wp, bp)


def kernel(x, edge_index, W1, b1, W2, b2, Wp, bp):
    src = edge_index[0]
    dst = edge_index[1]
    npad_extra = NPAD - N
    rng = jnp.arange(EPAD - E, dtype=jnp.int32) % npad_extra
    src_p = jnp.concatenate([src, rng]).reshape(NW, NCHW, CHUNK)
    dst_p = jnp.concatenate([dst, N + rng]).reshape(NW, NCHW, CHUNK)
    zeros1 = jnp.zeros((NPAD,), jnp.float32)
    ones1 = jnp.ones((128,), jnp.float32)
    zeros_d = jnp.zeros((NPAD, D), jnp.float32)

    dst_f = dst_p.reshape(EPAD)
    rng128 = jnp.arange(32 * 80 * 128 - E, dtype=jnp.int32) % npad_extra
    dst_p128 = jnp.concatenate([dst, N + rng128]).reshape(NW, 80, 128)
    deg_flat = _deg_kernel_128(dst_p128, zeros1, ones1)
    h1 = _h_call(x, W1)
    degt = deg_flat.reshape(NC, NPAD).T
    g1, dinv = _scale_call(h1, degt)
    return g1[:2, :1]

# --- scband reference (transcript-rebuilt; emitter-appended) ---
"""Pipeline reference for scband-homogeneous-gnnbaseline-36352603193995 (READ-ONLY COPY).

The authoritative reference and input builder live on the scoring server;
editing this copy changes nothing except your own understanding.
"""

import jax, jax.numpy as jnp
import numpy as np

N_NODES = 10000
N_EDGES = 320000
IN_DIM = 128
HIDDEN_DIM = 128
N_ADRS = 64


def setup_inputs(seed: int = 0) -> dict:
    key = jax.random.key(seed)
    ks = jax.random.split(key, 8)
    x = jax.random.normal(ks[0], (N_NODES, IN_DIM), dtype=jnp.float32)
    edge_index = jax.random.randint(ks[1], (2, N_EDGES), 0, N_NODES, dtype=jnp.int32)
    W1 = jax.random.normal(ks[2], (IN_DIM, HIDDEN_DIM), dtype=jnp.float32) * (1.0 / np.sqrt(IN_DIM))
    b1 = jnp.zeros((HIDDEN_DIM,), dtype=jnp.float32)
    W2 = jax.random.normal(ks[3], (HIDDEN_DIM, HIDDEN_DIM), dtype=jnp.float32) * (1.0 / np.sqrt(HIDDEN_DIM))
    b2 = jnp.zeros((HIDDEN_DIM,), dtype=jnp.float32)
    Wp = jax.random.normal(ks[4], (HIDDEN_DIM, N_ADRS), dtype=jnp.float32) * (1.0 / np.sqrt(HIDDEN_DIM))
    bp = jnp.zeros((N_ADRS,), dtype=jnp.float32)
    return {"x": x, "edge_index": edge_index, "W1": W1, "b1": b1, "W2": W2, "b2": b2, "Wp": Wp, "bp": bp}


def gcn_conv(x, edge_index, W, b):
    # Faithful GCNConv: add self-loops, symmetric normalization D^-1/2 (A+I) D^-1/2, linear.
    n = x.shape[0]
    loop = jnp.arange(n, dtype=edge_index.dtype)
    src = jnp.concatenate([edge_index[0], loop])
    dst = jnp.concatenate([edge_index[1], loop])
    deg = jnp.zeros((n,), dtype=x.dtype).at[dst].add(1.0)
    dinv = jnp.where(deg > 0, 1.0 / jnp.sqrt(deg), 0.0)
    norm = dinv[src] * dinv[dst]
    h = x @ W
    msg = h[src] * norm[:, None]
    out = jnp.zeros((n, W.shape[1]), dtype=x.dtype).at[dst].add(msg)
    return out + b


def reference(x, edge_index, W1, b1, W2, b2, Wp, bp):
    # layer 1 + relu (dropout is identity in eval mode)
    h = jax.nn.relu(gcn_conv(x, edge_index, W1, b1))
    # layer 2 + relu
    h = jax.nn.relu(gcn_conv(h, edge_index, W2, b2))
    # predictor linear
    return h @ Wp + bp

if __name__ == "__main__":
    import jax
    _d = setup_inputs()
    print(jax.jit(kernel)(*tuple(_d.values())))

</pallas_src>

<mosaic_0001>
#map = affine_map<(d0, d1) -> (0, 0, 0)>
#map1 = affine_map<(d0, d1) -> (0)>
module attributes {stable_mosaic.version = 14 : i64} {
  func.func @_deg_kernel_128(%arg0: i32, %arg1: i32, %arg2: memref<32x80x128xi32, #tpu.memory_space<hbm>>, %arg3: memref<10112xf32, #tpu.memory_space<hbm>>, %arg4: memref<128xf32, #tpu.memory_space<hbm>>, %arg5: memref<20224xf32, #tpu.memory_space<hbm>>, %arg6: memref<10112xf32, #tpu.memory_space<vmem_shared>>, %arg7: memref<80x128xi32, #tpu.memory_space<vmem>>, %arg8: memref<128xf32, #tpu.memory_space<vmem>>, %arg9: memref<10112xf32, #tpu.memory_space<vmem>>, %arg10: memref<!tpu.dma_semaphore, #tpu.memory_space<semaphore_mem>>) attributes {dimension_semantics = [#tpu.dimension_semantics<core_parallel>, #tpu.dimension_semantics<subcore_parallel>], iteration_bounds = array<i64: 2, 16>, scalar_prefetch = 0 : i64, scratch_operands = 5 : i64, tpu.core_type = #tpu.core_type<sc_vector_subcore>, window_params = [{transform_indices = #map}, {transform_indices = #map1}, {transform_indices = #map1}, {transform_indices = #map1}]} {
    %mul3A = arith.constant 16 : i32
    %mul3A_0 = arith.muli %arg0, %mul3A : i32
    %add3A = arith.addi %mul3A_0, %arg1 : i32
    %mul3A_1 = arith.constant 632 : i32
    %mul3A_2 = arith.muli %arg1, %mul3A_1 : i32
    %multiple_of3A = tpu.assume_multiple %mul3A_2, 8 : i32
    "tpu.region"() ({
      %run_scoped3A = tpu.sem_alloc : memref<!tpu.dma_semaphore, #tpu.memory_space<semaphore_mem>>
      %dma_start3A = arith.constant 0 : i32
      %dma_start3A_17 = arith.constant 0 : i32
      %dma_start3A_18 = tpu.memref_slice %arg2[%add3A, %dma_start3A, %dma_start3A_17] : memref<32x80x128xi32, #tpu.memory_space<hbm>> -> memref<1x80x128xi32, #tpu.memory_space<hbm>>
      %dma_start3A_19 = tpu.memref_squeeze %dma_start3A_18 : memref<1x80x128xi32, #tpu.memory_space<hbm>> -> memref<80x128xi32, #tpu.memory_space<hbm>>
      %dma_start3A_20 = arith.constant 0 : i32
      %dma_start3A_21 = arith.constant 0 : i32
      %dma_start3A_22 = tpu.memref_slice %arg2[%add3A, %dma_start3A_20, %dma_start3A_21] : memref<32x80x128xi32, #tpu.memory_space<hbm>> -> memref<1x80x128xi32, #tpu.memory_space<hbm>>
      %dma_start3A_23 = tpu.memref_squeeze %dma_start3A_22 : memref<1x80x128xi32, #tpu.memory_space<hbm>> -> memref<80x128xi32, #tpu.memory_space<hbm>>
      tpu.enqueue_dma source(%dma_start3A_23 : memref<80x128xi32, #tpu.memory_space<hbm>>) target(%arg7 : memref<80x128xi32, #tpu.memory_space<vmem>>) target_semaphore(%run_scoped3A : memref<!tpu.dma_semaphore, #tpu.memory_space<semaphore_mem>>)
      %dma_wait3A = arith.constant 0 : i32
      %dma_wait3A_24 = arith.constant 0 : i32
      %dma_wait3A_25 = tpu.memref_slice %arg2[%add3A, %dma_wait3A, %dma_wait3A_24] : memref<32x80x128xi32, #tpu.memory_space<hbm>> -> memref<1x80x128xi32, #tpu.memory_space<hbm>>
      %dma_wait3A_26 = tpu.memref_squeeze %dma_wait3A_25 : memref<1x80x128xi32, #tpu.memory_space<hbm>> -> memref<80x128xi32, #tpu.memory_space<hbm>>
      %dma_wait3A_27 = arith.constant 0 : i32
      %dma_wait3A_28 = arith.constant 0 : i32
      %dma_wait3A_29 = tpu.memref_slice %arg2[%add3A, %dma_wait3A_27, %dma_wait3A_28] : memref<32x80x128xi32, #tpu.memory_space<hbm>> -> memref<1x80x128xi32, #tpu.memory_space<hbm>>
      %dma_wait3A_30 = tpu.memref_squeeze %dma_wait3A_29 : memref<1x80x128xi32, #tpu.memory_space<hbm>> -> memref<80x128xi32, #tpu.memory_space<hbm>>
      tpu.wait_dma2 semaphore(%run_scoped3A : memref<!tpu.dma_semaphore, #tpu.memory_space<semaphore_mem>>) src(%dma_wait3A_30 : memref<80x128xi32, #tpu.memory_space<hbm>>) dst(%arg7 : memref<80x128xi32, #tpu.memory_space<vmem>>)
      tpu.yield
    }) : () -> ()
    "tpu.region"() ({
      %run_scoped3A = tpu.sem_alloc : memref<!tpu.dma_semaphore, #tpu.memory_space<semaphore_mem>>
      tpu.enqueue_dma source(%arg4 : memref<128xf32, #tpu.memory_space<hbm>>) target(%arg8 : memref<128xf32, #tpu.memory_space<vmem>>) target_semaphore(%run_scoped3A : memref<!tpu.dma_semaphore, #tpu.memory_space<semaphore_mem>>)
      tpu.wait_dma2 semaphore(%run_scoped3A : memref<!tpu.dma_semaphore, #tpu.memory_space<semaphore_mem>>) src(%arg4 : memref<128xf32, #tpu.memory_space<hbm>>) dst(%arg8 : memref<128xf32, #tpu.memory_space<vmem>>)
      tpu.yield
    }) : () -> ()
    "tpu.region"() ({
      %run_scoped3A = tpu.sem_alloc : memref<!tpu.dma_semaphore, #tpu.memory_space<semaphore_mem>>
      %dma_start3A = arith.constant 0 : i32
      %dma_start3A_17 = tpu.memref_slice %arg9[%dma_start3A] : memref<10112xf32, #tpu.memory_space<vmem>> -> memref<632xf32, #tpu.memory_space<vmem>>
      %dma_start3A_18 = tpu.memref_slice %arg3[%multiple_of3A] : memref<10112xf32, #tpu.memory_space<hbm>> -> memref<632xf32, #tpu.memory_space<hbm>>
      %dma_start3A_19 = arith.constant 0 : i32
      %dma_start3A_20 = tpu.memref_slice %arg9[%dma_start3A_19] : memref<10112xf32, #tpu.memory_space<vmem>> -> memref<632xf32, #tpu.memory_space<vmem>>
      %dma_start3A_21 = tpu.memref_slice %arg3[%multiple_of3A] : memref<10112xf32, #tpu.memory_space<hbm>> -> memref<632xf32, #tpu.memory_space<hbm>>
      tpu.enqueue_dma source(%dma_start3A_21 : memref<632xf32, #tpu.memory_space<hbm>>) target(%dma_start3A_20 : memref<632xf32, #tpu.memory_space<vmem>>) target_semaphore(%run_scoped3A : memref<!tpu.dma_semaphore, #tpu.memory_space<semaphore_mem>>)
      %dma_wait3A = arith.constant 0 : i32
      %dma_wait3A_22 = tpu.memref_slice %arg9[%dma_wait3A] : memref<10112xf32, #tpu.memory_space<vmem>> -> memref<632xf32, #tpu.memory_space<vmem>>
      %dma_wait3A_23 = tpu.memref_slice %arg3[%multiple_of3A] : memref<10112xf32, #tpu.memory_space<hbm>> -> memref<632xf32, #tpu.memory_space<hbm>>
      %dma_wait3A_24 = arith.constant 0 : i32
      %dma_wait3A_25 = tpu.memref_slice %arg9[%dma_wait3A_24] : memref<10112xf32, #tpu.memory_space<vmem>> -> memref<632xf32, #tpu.memory_space<vmem>>
      %dma_wait3A_26 = tpu.memref_slice %arg3[%multiple_of3A] : memref<10112xf32, #tpu.memory_space<hbm>> -> memref<632xf32, #tpu.memory_space<hbm>>
      tpu.wait_dma2 semaphore(%run_scoped3A : memref<!tpu.dma_semaphore, #tpu.memory_space<semaphore_mem>>) src(%dma_wait3A_26 : memref<632xf32, #tpu.memory_space<hbm>>) dst(%dma_wait3A_25 : memref<632xf32, #tpu.memory_space<vmem>>)
      tpu.yield
    }) : () -> ()
    "tpu.region"() ({
      %run_scoped3A = tpu.sem_alloc : memref<!tpu.dma_semaphore, #tpu.memory_space<semaphore_mem>>
      %dma_start3A = arith.constant 0 : i32
      %dma_start3A_17 = tpu.memref_slice %arg9[%dma_start3A] : memref<10112xf32, #tpu.memory_space<vmem>> -> memref<632xf32, #tpu.memory_space<vmem>>
      %dma_start3A_18 = tpu.memref_slice %arg6[%multiple_of3A] : memref<10112xf32, #tpu.memory_space<vmem_shared>> -> memref<632xf32, #tpu.memory_space<vmem_shared>>
      %dma_start3A_19 = tpu.memref_slice %arg6[%multiple_of3A] : memref<10112xf32, #tpu.memory_space<vmem_shared>> -> memref<632xf32, #tpu.memory_space<vmem_shared>>
      %dma_start3A_20 = arith.constant 0 : i32
      %dma_start3A_21 = tpu.memref_slice %arg9[%dma_start3A_20] : memref<10112xf32, #tpu.memory_space<vmem>> -> memref<632xf32, #tpu.memory_space<vmem>>
      tpu.enqueue_dma source(%dma_start3A_21 : memref<632xf32, #tpu.memory_space<vmem>>) target(%dma_start3A_19 : memref<632xf32, #tpu.memory_space<vmem_shared>>) target_semaphore(%run_scoped3A : memref<!tpu.dma_semaphore, #tpu.memory_space<semaphore_mem>>)
      %dma_wait3A = arith.constant 0 : i32
      %dma_wait3A_22 = tpu.memref_slice %arg9[%dma_wait3A] : memref<10112xf32, #tpu.memory_space<vmem>> -> memref<632xf32, #tpu.memory_space<vmem>>
      %dma_wait3A_23 = tpu.memref_slice %arg6[%multiple_of3A] : memref<10112xf32, #tpu.memory_space<vmem_shared>> -> memref<632xf32, #tpu.memory_space<vmem_shared>>
      %dma_wait3A_24 = tpu.memref_slice %arg6[%multiple_of3A] : memref<10112xf32, #tpu.memory_space<vmem_shared>> -> memref<632xf32, #tpu.memory_space<vmem_shared>>
      %dma_wait3A_25 = arith.constant 0 : i32
      %dma_wait3A_26 = tpu.memref_slice %arg9[%dma_wait3A_25] : memref<10112xf32, #tpu.memory_space<vmem>> -> memref<632xf32, #tpu.memory_space<vmem>>
      tpu.wait_dma2 semaphore(%run_scoped3A : memref<!tpu.dma_semaphore, #tpu.memory_space<semaphore_mem>>) src(%dma_wait3A_26 : memref<632xf32, #tpu.memory_space<vmem>>) dst(%dma_wait3A_24 : memref<632xf32, #tpu.memory_space<vmem_shared>>)
      tpu.yield
    }) : () -> ()
    %barrier3A = arith.constant 0 : index
    tpu.barrier barrier_id(%barrier3A)
    %scan3A = arith.constant 0 : i32
    %scan3A_3 = arith.constant 0 : i32
    %scan3A_4 = arith.constant 80 : i32
    %scan3A_5 = arith.addi %scan3A_3, %scan3A_4 : i32
    %scan3A_6 = arith.constant 1 : i32
    scf.for %scan3A_17 = %scan3A_3 to %scan3A_5 step %scan3A_6  : i32 {
      %dma_start3A = arith.constant 0 : i32
      %dma_start3A_18 = tpu.memref_slice %arg7[%scan3A_17, %dma_start3A] : memref<80x128xi32, #tpu.memory_space<vmem>> -> memref<1x128xi32, #tpu.memory_space<vmem>>
      %dma_start3A_19 = tpu.memref_squeeze %dma_start3A_18 : memref<1x128xi32, #tpu.memory_space<vmem>> -> memref<128xi32, #tpu.memory_space<vmem>>
      %dma_start3A_20 = arith.constant 0 : i32
      %dma_start3A_21 = tpu.memref_slice %arg6[%dma_start3A_20] : memref<10112xf32, #tpu.memory_space<vmem_shared>> -> memref<10112xf32, #tpu.memory_space<vmem_shared>>
      tpu.enqueue_indirect_dma source(%arg8 : memref<128xf32, #tpu.memory_space<vmem>>) target(%dma_start3A_21 : memref<10112xf32, #tpu.memory_space<vmem_shared>>) offsets(%dma_start3A_19 : memref<128xi32, #tpu.memory_space<vmem>>) semaphore(%arg10 : memref<!tpu.dma_semaphore, #tpu.memory_space<semaphore_mem>>) {add = true}
    }
    %scan3A_7 = arith.constant 80 : i32
    %scan3A_8 = arith.constant 0 : i32
    %scan3A_9 = arith.constant 0 : i32
    %scan3A_10 = arith.constant 80 : i32
    %scan3A_11 = arith.addi %scan3A_9, %scan3A_10 : i32
    %scan3A_12 = arith.constant 1 : i32
    scf.for %scan3A_17 = %scan3A_9 to %scan3A_11 step %scan3A_12  : i32 {
      %dma_wait3A = arith.constant 0 : i32
      %dma_wait3A_18 = arith.constant 0 : i32
      %dma_wait3A_19 = tpu.memref_slice %arg7[%dma_wait3A, %dma_wait3A_18] : memref<80x128xi32, #tpu.memory_space<vmem>> -> memref<1x128xi32, #tpu.memory_space<vmem>>
      %dma_wait3A_20 = tpu.memref_squeeze %dma_wait3A_19 : memref<1x128xi32, #tpu.memory_space<vmem>> -> memref<128xi32, #tpu.memory_space<vmem>>
      %dma_wait3A_21 = arith.constant 0 : i32
      %dma_wait3A_22 = tpu.memref_slice %arg6[%dma_wait3A_21] : memref<10112xf32, #tpu.memory_space<vmem_shared>> -> memref<10112xf32, #tpu.memory_space<vmem_shared>>
      tpu.wait_indirect_dma semaphore(%arg10 : memref<!tpu.dma_semaphore, #tpu.memory_space<semaphore_mem>>) src(%arg8 : memref<128xf32, #tpu.memory_space<vmem>>) dst(%dma_wait3A_22 : memref<10112xf32, #tpu.memory_space<vmem_shared>>)
    }
    %scan3A_13 = arith.constant 80 : i32
    %barrier3A_14 = arith.constant 0 : index
    tpu.barrier barrier_id(%barrier3A_14)
    %eq3A = arith.constant 0 : i32
    %eq3A_15 = arith.cmpi eq, %arg1, %eq3A : i32
    %convert_element_type3A = arith.extui %eq3A_15 : i1 to i32
    %cond3A = arith.constant 0 : i32
    %cond3A_16 = arith.cmpi ne, %convert_element_type3A, %cond3A : i32
    scf.if %cond3A_16 {
      %mul3A_17 = arith.constant 10112 : i32
      %mul3A_18 = arith.muli %arg0, %mul3A_17 : i32
      %multiple_of3A_19 = tpu.assume_multiple %mul3A_18, 8 : i32
      "tpu.region"() ({
        %run_scoped3A = tpu.sem_alloc : memref<!tpu.dma_semaphore, #tpu.memory_space<semaphore_mem>>
        tpu.enqueue_dma source(%arg6 : memref<10112xf32, #tpu.memory_space<vmem_shared>>) target(%arg9 : memref<10112xf32, #tpu.memory_space<vmem>>) target_semaphore(%run_scoped3A : memref<!tpu.dma_semaphore, #tpu.memory_space<semaphore_mem>>)
        tpu.wait_dma2 semaphore(%run_scoped3A : memref<!tpu.dma_semaphore, #tpu.memory_space<semaphore_mem>>) src(%arg6 : memref<10112xf32, #tpu.memory_space<vmem_shared>>) dst(%arg9 : memref<10112xf32, #tpu.memory_space<vmem>>)
        tpu.yield
      }) : () -> ()
      "tpu.region"() ({
        %run_scoped3A = tpu.sem_alloc : memref<!tpu.dma_semaphore, #tpu.memory_space<semaphore_mem>>
        %dma_start3A = tpu.memref_slice %arg5[%multiple_of3A_19] : memref<20224xf32, #tpu.memory_space<hbm>> -> memref<10112xf32, #tpu.memory_space<hbm>>
        %dma_start3A_20 = tpu.memref_slice %arg5[%multiple_of3A_19] : memref<20224xf32, #tpu.memory_space<hbm>> -> memref<10112xf32, #tpu.memory_space<hbm>>
        tpu.enqueue_dma source(%arg9 : memref<10112xf32, #tpu.memory_space<vmem>>) target(%dma_start3A_20 : memref<10112xf32, #tpu.memory_space<hbm>>) target_semaphore(%run_scoped3A : memref<!tpu.dma_semaphore, #tpu.memory_space<semaphore_mem>>)
        %dma_wait3A = tpu.memref_slice %arg5[%multiple_of3A_19] : memref<20224xf32, #tpu.memory_space<hbm>> -> memref<10112xf32, #tpu.memory_space<hbm>>
        %dma_wait3A_21 = tpu.memref_slice %arg5[%multiple_of3A_19] : memref<20224xf32, #tpu.memory_space<hbm>> -> memref<10112xf32, #tpu.memory_space<hbm>>
        tpu.wait_dma2 semaphore(%run_scoped3A : memref<!tpu.dma_semaphore, #tpu.memory_space<semaphore_mem>>) src(%arg9 : memref<10112xf32, #tpu.memory_space<vmem>>) dst(%dma_wait3A_21 : memref<10112xf32, #tpu.memory_space<hbm>>)
        tpu.yield
      }) : () -> ()
    } else {
    }
    return
  }
}

module attributes {stable_mosaic.version = 14 : i64} {
  func.func @_h_body(%arg0: i32, %arg1: memref<2000x128xf32, #tpu.memory_space<vmem>>, %arg2: memref<128x128xf32, #tpu.memory_space<vmem>>, %arg3: memref<2000x128xf32, #tpu.memory_space<vmem>>) attributes {dimension_semantics = [#tpu.dimension_semantics<arbitrary>], iteration_bounds = array<i64: 5>, scalar_prefetch = 0 : i64, scratch_operands = 0 : i64, tpu.core_type = #tpu.core_type<tc>, window_params = [{transform_indices = @transform_0, window_bounds = array<i64: 2000, 128>}, {pipeline_mode = #tpu.pipeline_mode<synchronous>, transform_indices = @transform_1, window_bounds = array<i64: 128, 128>}, {transform_indices = @transform_2, window_bounds = array<i64: 2000, 128>}]} {
    %get3A = arith.constant 0 : index
    %get3A_0 = arith.constant 0 : index
    %get3A_1 = vector.load %arg1[%get3A, %get3A_0] : memref<2000x128xf32, #tpu.memory_space<vmem>>, vector<2000x128xf32>
    %get3A_2 = arith.constant 0 : index
    %get3A_3 = arith.constant 0 : index
    %get3A_4 = vector.load %arg2[%get3A_2, %get3A_3] : memref<128x128xf32, #tpu.memory_space<vmem>>, vector<128x128xf32>
    %dot_general3A = arith.constant dense<0.000000e+00> : vector<2000x128xf32>
    %dot_general3A_5 = tpu.matmul %get3A_1, %get3A_4, %dot_general3A {dimension_numbers = #tpu.dot_dimension_numbers<[1], [0], [0], [1], [0, 0, 1, 1], [], []>, transpose_lhs_hint = false} : vector<2000x128xf32>, vector<128x128xf32>, vector<2000x128xf32> -> vector<2000x128xf32>
    %swap3A = arith.constant 0 : index
    %swap3A_6 = arith.constant 0 : index
    %swap3A_7 = vector.load %arg3[%swap3A, %swap3A_6] : memref<2000x128xf32, #tpu.memory_space<vmem>>, vector<2000x128xf32>
    tpu.vector_store %arg3[%swap3A, %swap3A_6], %dot_general3A_5 {strides = array<i32>} : memref<2000x128xf32, #tpu.memory_space<vmem>>, vector<2000x128xf32>,
    return
  }
  func.func @transform_0(%arg0: i32) -> (i32, i32) {
    %c0_i32 = arith.constant 0 : i32
    %c0_i32_0 = arith.constant 0 : i32
    return %arg0, %c0_i32 : i32, i32
  }
  func.func @transform_1(%arg0: i32) -> (i32, i32) {
    %c0_i32 = arith.constant 0 : i32
    %c0_i32_0 = arith.constant 0 : i32
    %c0_i32_1 = arith.constant 0 : i32
    return %c0_i32, %c0_i32_0 : i32, i32
  }
  func.func @transform_2(%arg0: i32) -> (i32, i32) {
    %c0_i32 = arith.constant 0 : i32
    %c0_i32_0 = arith.constant 0 : i32
    return %arg0, %c0_i32 : i32, i32
  }
}

module attributes {stable_mosaic.version = 14 : i64} {
  func.func @_scale_body(%arg0: i32, %arg1: memref<2000x128xf32, #tpu.memory_space<vmem>>, %arg2: memref<2000x2xf32, #tpu.memory_space<vmem>>, %arg3: memref<2000x128xf32, #tpu.memory_space<vmem>>, %arg4: memref<2000x1xf32, #tpu.memory_space<vmem>>) attributes {dimension_semantics = [#tpu.dimension_semantics<arbitrary>], iteration_bounds = array<i64: 5>, scalar_prefetch = 0 : i64, scratch_operands = 0 : i64, tpu.core_type = #tpu.core_type<tc>, window_params = [{transform_indices = @transform_0, window_bounds = array<i64: 2000, 128>}, {transform_indices = @transform_1, window_bounds = array<i64: 2000, 2>}, {transform_indices = @transform_2, window_bounds = array<i64: 2000, 128>}, {transform_indices = @transform_3, window_bounds = array<i64: 2000, 1>}]} {
    %get3A = arith.constant 0 : index
    %get3A_0 = arith.constant 0 : index
    %get3A_1 = vector.load %arg2[%get3A, %get3A_0] : memref<2000x2xf32, #tpu.memory_space<vmem>>, vector<2000x1xf32>
    %get3A_2 = arith.constant 0 : index
    %get3A_3 = arith.constant 1 : index
    %get3A_4 = vector.load %arg2[%get3A_2, %get3A_3] : memref<2000x2xf32, #tpu.memory_space<vmem>>, vector<2000x1xf32>
    %add3A = arith.addf %get3A_1, %get3A_4 : vector<2000x1xf32>
    %add3A_5 = arith.constant 1.000000e+00 : f32
    %add3A_6 = vector.broadcast %add3A_5 : f32 to vector<2000x1xf32>
    %add3A_7 = arith.addf %add3A, %add3A_6 : vector<2000x1xf32>
    %rsqrt3A = math.rsqrt %add3A_7 : vector<2000x1xf32>
    %get3A_8 = arith.constant 0 : index
    %get3A_9 = arith.constant 0 : index
    %get3A_10 = vector.load %arg1[%get3A_8, %get3A_9] : memref<2000x128xf32, #tpu.memory_space<vmem>>, vector<2000x128xf32>
    %mul3A = vector.broadcast %rsqrt3A : vector<2000x1xf32> to vector<2000x128xf32>
    %mul3A_11 = arith.mulf %get3A_10, %mul3A : vector<2000x128xf32>
    %swap3A = arith.constant 0 : index
    %swap3A_12 = arith.constant 0 : index
    %swap3A_13 = vector.load %arg3[%swap3A, %swap3A_12] : memref<2000x128xf32, #tpu.memory_space<vmem>>, vector<2000x128xf32>
    tpu.vector_store %arg3[%swap3A, %swap3A_12], %mul3A_11 {strides = array<i32>} : memref<2000x128xf32, #tpu.memory_space<vmem>>, vector<2000x128xf32>,
    %swap3A_14 = arith.constant 0 : index
    %swap3A_15 = arith.constant 0 : index
    %swap3A_16 = vector.load %arg4[%swap3A_14, %swap3A_15] : memref<2000x1xf32, #tpu.memory_space<vmem>>, vector<2000x1xf32>
    tpu.vector_store %arg4[%swap3A_14, %swap3A_15], %rsqrt3A {strides = array<i32>} : memref<2000x1xf32, #tpu.memory_space<vmem>>, vector<2000x1xf32>,
    return
  }
  func.func @transform_0(%arg0: i32) -> (i32, i32) {
    %c0_i32 = arith.constant 0 : i32
    %c0_i32_0 = arith.constant 0 : i32
    return %arg0, %c0_i32 : i32, i32
  }
  func.func @transform_1(%arg0: i32) -> (i32, i32) {
    %c0_i32 = arith.constant 0 : i32
    %c0_i32_0 = arith.constant 0 : i32
    return %arg0, %c0_i32 : i32, i32
  }
  func.func @transform_2(%arg0: i32) -> (i32, i32) {
    %c0_i32 = arith.constant 0 : i32
    %c0_i32_0 = arith.constant 0 : i32
    return %arg0, %c0_i32 : i32, i32
  }
  func.func @transform_3(%arg0: i32) -> (i32, i32) {
    %c0_i32 = arith.constant 0 : i32
    %c0_i32_0 = arith.constant 0 : i32
    return %arg0, %c0_i32 : i32, i32
  }
}

</mosaic_0001>

<sc_bundles>
// kernel: kernel.5.cloned.1.call-start
scs
__scs_entry_jumppad:
0x0: {  	(pc) =	sbr.rel $0x88, $3  }
0x1: {  	(tag) =	ssettag $0x0;
	lr =	simm.s32 $0x1  }
0x2: {  	[smem:$0x3F9E] =	sst lr;
	_ =	strace $0xD0000000  }
0x3: {  	_ = 	snop  }
0x4: {  	_ = 	snop  }
0x5: {  	_ = 	snop  }
0x6: {  	_ = 	snop  }
0x7: {  	_ = 	snop  }
__scs_overlays_trampoline_lowered:
0x8: {  	[smem:$0x3FAD] =	sst s0  }
0x9: {  	[smem:$0x3FAE] =	sst s1  }
0xa: {  	[smem:$0x3FAF] =	sst s2  }
0xb: {  	[smem:$0x3FB0] =	sst s3  }
0xc: {  	[smem:$0x3FB1] =	sst s4  }
0xd: {  	[smem:$0x3FB2] =	sst s5  }
0xe: {  	[smem:$0x3FB3] =	sst s6  }
0xf: {  	[smem:$0x3FB4] =	sst s7  }
0x10: {  	[smem:$0x3FB5] =	sst s8  }
0x11: {  	[smem:$0x3FB6] =	sst s9;
	s0 =	simm.s32 @!p0 $0x0  }
0x12: {  	s1 =	sld [smem:$0x3F9C];
	s0 =	simm.s32 @p0 $0x1  }
0x13: {  	[smem:$0x3FB7] =	sst s0;
	s0 =	simm.s32 @!p1 $0x0  }
0x14: {  	s2 =	sld [smem:$0x3F9B];
	s0 =	simm.s32 @p1 $0x1  }
0x15: {  	[smem:$0x3FB8] =	sst s0;
	s0 =	simm.s32 @!p2 $0x0  }
0x16: {  	s3 =	sld [smem:$0x3FDB];
	s0 =	simm.s32 @p2 $0x1  }
0x17: {  	s4 =	simm.s32 $0x1BF5;
	[smem:$0x3FBA] =	sst s0  }
0x18: {  	s0 =	sld [smem:$0x3F9D];
	_ =	swait.ge [sflag:s4], $0x0  }
0x19: {  	s7 =	sld [smem:$0x3F9E]  }
0x1a: {  	s8 =	sadd.s32 $0xFFFFE003, lr  }
0x1b: {  	s9 =	sadd.s32 $0xFFFFFEF7, lr;
	s5 =	simm.s32 $0xFFFFFFFF;
	p2 =	slt.u32 s8, $0xFFFFF086  }
0x1c: {  	p1 =	slt.u32 s9, $0xF7A;
	s5 =	simm.s32 @!p2 $0x0  }
0x1d: {  	s5 =	simm.s32 @p1 $0x1;
	p0 =	seq.s32 s7, s2  }
0x1e: {  	s7 =	smul.u32 @!p0 $0xF7A, s2;
	p2 =	seq.s32 @!p0 s5, $0x0  }
0x1f: {  	s9 =	smul.u32 $0xF7A, s1;
	s8 =	simm.s32 @!p0 $0x1BF5;
	p2 =	por !p2, p0  }
0x20: {  	[sflag:s8] =	ssyncset.s32 @!p0 $0xFFFFF086;
	s6 =	sadd.s32 @!p0 s3, s7;
	s7 =	simm.s32 @!p0 $0x108  }
0x21: {  	s3 =	sadd.s32 s3, s9;
	s6 =	sadd.s32 @!p0 $0x88, s6;
	s7 =	simm.s32 @p2 $0x1082  }
0x22: {  	[simem:s7], [sflag:s8] =	dma.local @!p0 [hbm:s6], $0xF7A  }
0x23: {  	s9 =	sor.u32 $0xD0000000, s2;
	s6 =	simm.s32 $0x108;
	_ =	swait.ge @!p0 [sflag:s8], $0x0  }
0x24: {  	s3 =	sadd.s32 $0x88, s3;
	s6 =	simm.s32 @!p1 $0x1082;
	[sflag:s4] =	ssyncset.s32 $0xFFFFF086  }
0x25: {  	[simem:s6], [sflag:s4] =	dma.local [hbm:s3], $0xF7A  }
0x26: {  	[smem:$0x3F9E] =	sst s1;
	(tag) =	ssettag s2;
	_ =	strace s9  }
0x27: {  	s1 =	sld [smem:$0x3FAE]  }
0x28: {  	s2 =	sld [smem:$0x3FAF]  }
0x29: {  	s4 =	sld [smem:$0x3FB1]  }
0x2a: {  	p0 =	seq.s32 s5, $0x0;
	s5 =	sld [smem:$0x3FB2]  }
0x2b: {  	s6 =	sld [smem:$0x3FB3]  }
0x2c: {  	s7 =	sld [smem:$0x3FB4]  }
0x2d: {  	s3 =	simm.s32 $0x108;
	s8 =	sld [smem:$0x3FB5]  }
0x2e: {  	s3 =	simm.s32 @!p0 $0x1082;
	s9 =	sld [smem:$0x3FB6]  }
0x2f: {  	lr =	sadd.s32 s0, s3;
	s0 =	sld [smem:$0x3FAD]  }
0x30: {  	s3 =	sld [smem:$0x3FB0]  }
0x31: {  	[smem:$0x3FB9] =	sst s10  }
0x32: {  	s10 =	sld [smem:$0x3FB7];
	_ =	sdelay $0x3  }
0x33: {  	p0 =	seq.s32 s10, $0x1;
	s10 =	sld [smem:$0x3FB9];
	_ =	sdelay $0x3  }
0x34: {  	[smem:$0x3FB9] =	sst s10  }
0x35: {  	s10 =	sld [smem:$0x3FB8];
	_ =	sdelay $0x3  }
0x36: {  	p1 =	seq.s32 s10, $0x1;
	s10 =	sld [smem:$0x3FB9];
	_ =	sdelay $0x3  }
0x37: {  	[smem:$0x3FB9] =	sst s10  }
0x38: {  	s10 =	sld [smem:$0x3FBA]  }
0x39: {  	_ = 	snop;
	(pc) =	sbr.ind lr, $3  }
0x3a: {  	_ = 	snop  }
0x3b: {  	_ = 	snop  }
0x3c: {  	p2 =	seq.s32 s10, $0x1;
	s10 =	sld [smem:$0x3FB9]  }
0x3d: {  	_ =	shalt  }
0x3e: {  	_ =	shalt  }
0x3f: {  	_ =	shalt  }
0x40: {  	_ =	shalt  }
0x41: {  	_ =	shalt  }
0x42: {  	_ =	shalt  }
0x43: {  	_ =	shalt  }
0x44: {  	_ =	shalt  }
0x45: {  	_ =	shalt  }
0x46: {  	_ =	shalt  }
0x47: {  	_ =	shalt  }
0x48: {  	_ =	shalt  }
0x49: {  	_ =	shalt  }
0x4a: {  	_ =	shalt  }
0x4b: {  	_ =	shalt  }
0x4c: {  	_ =	shalt  }
0x4d: {  	_ =	shalt  }
0x4e: {  	_ =	shalt  }
0x4f: {  	_ =	shalt  }
0x50: {  	_ =	shalt  }
0x51: {  	_ =	shalt  }
0x52: {  	_ =	shalt  }
0x53: {  	_ =	shalt  }
0x54: {  	_ =	shalt  }
0x55: {  	_ =	shalt  }
0x56: {  	_ =	shalt  }
0x57: {  	_ =	shalt  }
0x58: {  	_ =	shalt  }
0x59: {  	_ =	shalt  }
0x5a: {  	_ =	shalt  }
0x5b: {  	_ =	shalt  }
0x5c: {  	_ =	shalt  }
0x5d: {  	_ =	shalt  }
0x5e: {  	_ =	shalt  }
0x5f: {  	_ =	shalt  }
0x60: {  	_ =	shalt  }
0x61: {  	_ =	shalt  }
0x62: {  	_ =	shalt  }
0x63: {  	_ =	shalt  }
0x64: {  	_ =	shalt  }
0x65: {  	_ =	shalt  }
0x66: {  	_ =	shalt  }
0x67: {  	_ =	shalt  }
0x68: {  	_ =	shalt  }
0x69: {  	_ =	shalt  }
0x6a: {  	_ =	shalt  }
0x6b: {  	_ =	shalt  }
0x6c: {  	_ =	shalt  }
0x6d: {  	_ =	shalt  }
0x6e: {  	_ =	shalt  }
0x6f: {  	_ =	shalt  }
0x70: {  	_ =	shalt  }
0x71: {  	_ =	shalt  }
0x72: {  	_ =	shalt  }
0x73: {  	_ =	shalt  }
0x74: {  	_ =	shalt  }
0x75: {  	_ =	shalt  }
0x76: {  	_ =	shalt  }
0x77: {  	_ =	shalt  }
0x78: {  	_ =	shalt  }
0x79: {  	_ =	shalt  }
0x7a: {  	_ =	shalt  }
0x7b: {  	_ =	shalt  }
0x7c: {  	_ =	shalt  }
0x7d: {  	_ =	shalt  }
0x7e: {  	_ =	shalt  }
0x7f: {  	_ =	shalt  }
0x80: {  	_ =	shalt  }
0x81: {  	_ =	shalt  }
0x82: {  	_ =	shalt  }
0x83: {  	_ =	shalt  }
0x84: {  	_ =	shalt  }
0x85: {  	_ =	shalt  }
0x86: {  	_ =	shalt  }
0x87: {  	_ =	shalt  }
.Lfunc_end0:
.L_simem_size_0:
called_computation_lowered:
.L_overlay_start_0:
0x88: {  	s2 =	sld [smem:$0x3FD9]  }
0x89: {  	s3 =	sld [smem:$0x3FFE];
	_ =	sdelay $0x1  }
0x8a: {  	s1 =	srdreg.scid  }
0x8b: {  	s0 =	sand.u32 $0x1, s1  }
0x8c: {  	s17 =	sshll.u32 s0, $0xA;
	s2 =	sadd.s32 s3, s2  }
0x8d: {  	s2 =	sadd.s32 s2, s17  }
0x8e: {  	[smem:$0x3FC5] =	sst s2  }
0x8f: {  	_ = 	snop  }
0x90: {  	s2 =	sld [smem:$0x3FD0];
	(tm) =	ssettm $0x1  }
0x91: {  	s18 =	sld [smem:$0x3FFB];
	_ =	sdelay $0x3  }
0x92: {  	_ =	strace s18  }
0x93: {  	s3 =	sld [smem:$0x3FFC];
	_ =	sdelay $0x3  }
0x94: {  	_ =	strace s3  }
0x95: {  	s3 =	sld [smem:$0x3FFD];
	_ =	sdelay $0x3  }
0x96: {  	_ =	strace s3  }
0x97: {  	_ =	strace $0x8FFFFFFF  }
0x98: {  	s19 =	sld [smem:$0x3FDB];
	_ =	sdelay $0x1  }
0x99: {  	s4 =	simm.s32 $_scs_section_size  }
0x9a: {  	s5 =	simm.s32 $_size__tile_overlayer_lowered;
	s6 =	simm.s32 $_tile_overlayer_lowered  }
0x9b: {  	s22 =	simm.s32 $0x1BFF;
	s21 =	sshll.u32 s6, $0x1;
	s3 =	sadd.s32 s4, s19  }
0x9c: {  	s7 =	simm.s32 $0x0;
	s20 =	sshll.u32 s5, $0x1;
	s5 =	sadd.s32 s21, s3  }
0x9d: {  	[timem:s7], [sflag:s22] =	dma.local [hbm:s5], s20  }
0x9e: {  	_ =	swait.ge [sflag:s22], s20  }
0x9f: {  	s4 =	ssub.s32 $0x0, s20;
	[sflag:s22] =	ssyncset.done $0x0  }
0xa0: {  	[sflag:s22] =	ssyncadd.s32 s4;
	_ =	sdelay $0x1  }
0xa1: {  	s23 =	simm.s32 $0x1B8B  }
0xa2: {  	_ =	swait.ge [sflag:s23], $0x1  }
0xa3: {  	[sflag:s23] =	ssyncset.done $0x0  }
0xa4: {  	s25 =	simm.s32 $0x1B8E;
	s24 =	sld [smem:$0x3FFE];
	[sflag:s23] =	ssyncadd.s32 $0xFFFFFFFF  }
0xa5: {  	s26 =	simm.s32 $execute0_lowered;
	[smem:$0x3FD2] =	sst s25  }
0xa6: {  	s5 =	sshll.u32 s26, $0x1;
	_ =	strace $0x80000046;
	[dreg:$0x1] =	wrdreg $0xFFFFFFFF  }
0xa7: {  	s28 =	simm.s32 $_size_execute0_lowered;
	s3 =	sadd.s32 s3, s5;
	[dreg:$0x0] =	wrdreg $0x0  }
0xa8: {  	s5 =	sshll.u32 s28, $0x1;
	[dreg:$0x2] =	wrdreg s3  }
0xa9: {  	[dreg:$0x3] =	wrdreg s5  }
0xaa: {  	[dreg:$0x4] =	wrdreg $0xC0  }
0xab: {  	_ =	task [dreg:s7], $0x5FFFF  }
0xac: {  	[dreg:$0x1] =	wrdreg $0xFFFFFFFF  }
0xad: {  	[dreg:$0x0] =	wrdreg $0x60  }
0xae: {  	[dreg:$0x2] =	wrdreg s24  }
0xaf: {  	[dreg:$0x3] =	wrdreg s2  }
0xb0: {  	[dreg:$0x4] =	wrdreg $0x0  }
0xb1: {  	[dreg:$0x5] =	wrdreg $0x9  }
0xb2: {  	_ =	task.clear_ibuf [dreg:s7], $0x6FFFF;
	_ =	strace $0x90000046  }
0xb3: {  	s29 =	simm.s32 $0x9;
	_ =	strace $0x80000048  }
0xb4: {  	_ =	swait.ge [sflag:s29], $0x1  }
0xb5: {  	[sflag:s29] =	ssyncadd.s32 $0xFFFFFFFF  }
0xb6: {  	_ =	strace $0x90000048  }
0xb7: {  	_ =	sfence  }
0xb8: {  	s30 =	sld [smem:$0x0];
	_ =	sdelay $0x2  }
0xb9: {  	s31 =	sshll.u32 s1, $0xD;
	s1 =	sshrl.u32 s1, $0x2  }
0xba: {  	s3 =	sand.u32 $0x4000, s31;
	s1 =	sadd.s32 s1, s30  }
0xbb: {  	s0 =	sor.u32 s3, s0;
	s1 =	sshll.u32 s1, $0x11  }
0xbc: {  	s0 =	sor.u32 s1, s0  }
0xbd: {  	s0 =	sadd.s32 $0x8F2B, s0  }
0xbe: {  	[sflag:s0] =	ssyncadd.remote.s32 $0x1  }
0xbf: {  	_ =	sfence.sel $0xFFFF  }
0xc0: {  	[dreg:$0x0] =	wrdreg $0xFFFFFFFF;
	(pc) =	sbr.abs _section_cstart, $3  }
0xc1: {  	[dreg:$0x1] =	wrdreg $0xFFFFFFFF  }
0xc2: {  	_ =	task.clear_ibuf [dreg:s7], $0x2FFFF;
	_ =	strace $0x9FFFFFFF  }
0xc3: {  	(tm) =	ssettm $0x7FFFFFFF  }
tec
execute0_lowered:
.L_overlay_start_1:
0x0: {  	(tag) =	ssettag $0x1  }
0x1: {  	s4 =	rddreg [dreg:$0x0]  }
0x2: {  	s1 =	rddreg [dreg:$0x1]  }
0x3: {  	s2 =	rddreg [dreg:$0x2]  }
0x4: {  	s3 =	srdreg.scid;
	s0 =	rddreg [dreg:$0x3]  }
0x5: {  	s15 =	stileid.u32;
	s11 =	simm.s32 $0x2A78;
	s12 =	simm.s32 $0x2AF8  }
0x6: {  	s13 =	simm.s32 $0x80;
	s14 =	simm.s32 $0x1;
	s5 =	sand.u32 $0x1, s3  }
0x7: {  	s3 =	simm.s32 $0x0;
	s7 =	smul.u32 $0x278, s15;
	p0 =	sne.s32 s15, $0x0  }
0x8: {  	s6 =	sshll.u32 s5, $0x4;
	[smem:$0x7FF] =	sst s3;
	s9 =	smul.u32 $0x4F0, s5  }
0x9: {  	s5 =	ssub.s32 $0x2, s5;
	s6 =	sor.u32 s15, s6;
	_ =	strace $0x80000047  }
0xa: {  	s8 =	sshrl.u32 s7, $0x3;
	s10 =	sshrl.u32 s5, $0x1;
	s6 =	smul.u32 $0x500, s6  }
0xb: {  	s15 =	simm.s32 $0x0;
	s8 =	sadd.s32 s8, s4;
	s9 =	sadd.s32 s9, s4  }
0xc: {  	s10 =	ssub.s32 s5, s10;
	s5 =	sadd.s32 $0xA600, s8;
	s6 =	sadd.s32 s6, s4  }
0xd: {  	s8 =	smax.u32 s10, $0x1;
	s10 =	simm.s32 $0x2;
	s4 =	sadd.s32 $0x600, s6  }
0xe: {  	s6 =	sadd.s32 s7, s2;
	s7 =	sadd.s32 $0xAC00, s9;
	s9 =	simm.s32 $0x278  }
.LBB2_1:
0xf: {  	[tilespmem:s9], [sflag:$0x2] =	stream.linear.gather [hbm4b:s4+s3], $0x2800, $0x38;
	[tilespmem:$0x5278] =	vst v63  }
0x10: {  	_ =	swait.ge [sflag:s10], $0x2800  }
0x11: {  	[sflag:s10] =	ssyncset.done $0x0  }
0x12: {  	[sflag:s10] =	ssyncadd.s32 $0xFFFFD800  }
0x13: {  	[tilespmem:s11], [sflag:$0x2] =	stream.linear.gather [hbm4b:s1+s3], $0x80, $0x38;
	[tilespmem:$0x5278] =	vst v63  }
0x14: {  	_ =	swait.ge [sflag:s10], $0x80  }
0x15: {  	[sflag:s10] =	ssyncset.done $0x0  }
0x16: {  	[sflag:s10] =	ssyncadd.s32 $0xFFFFFF80  }
0x17: {  	[tilespmem:s12], [sflag:$0x2] =	stream.linear.gather [hbm4b:s5+s3], $0x278, $0x38;
	[tilespmem:$0x5278] =	vst v63  }
0x18: {  	_ =	swait.ge [sflag:s10], $0x278  }
0x19: {  	[sflag:s10] =	ssyncset.done $0x0  }
0x1a: {  	[sflag:s10] =	ssyncadd.s32 $0xFFFFFD88  }
0x1b: {  	[spmem:s6] =	stream.linear.scatter [tilespmem:s12], [sflag:$0x2], $0x278, $0x38;
	[tilespmem:$0x5278] =	vst v63  }
0x1c: {  	_ =	swait.ge [sflag:s10], $0x278  }
0x1d: {  	[sflag:s10] =	ssyncset.done $0x0  }
0x1e: {  	[sflag:s10] =	ssyncadd.s32 $0xFFFFFD88  }
0x1f: {  	s16 =	simm.s32 $0x0;
	[bflag:$0x0] =	sbarrier.arrive $0xFFFF  }
.LBB2_2:
0x20: {  	p1 =	sne.s32 s16, $0x9E00  }
.Ltmp0:
0x21: {  	_ = 	snop;
	(pc) =	sbr.rel @p1 .LBB2_2-.Ltmp0, $4  }
0x22: {  	_ = 	snop  }
0x23: {  	s17 =	sshra.s32 s16, $0x2  }
0x24: {  	s16 =	sadd.s32 $0x200, s16;
	s17 =	sadd.s32 $0x278, s17  }
0x25: {  	[spmem:s2] =	stream.indirect.scatter.add.f32 [tilespmem:s11], [sflag:$0x1], $0x1, s17, s13, $0xb8;
	[tilespmem:$0x5278] =	vst v63  }
0x26: {  	_ =	swait.ge [sflag:s14], $0x80  }
0x27: {  	s16 =	simm.s32 $0x4F;
	[sflag:s14] =	ssyncset.done $0x0  }
.LBB2_4:
0x28: {  	p1 =	sne.s32 s16, $0x1;
	s16 =	sadd.s32 $0xFFFFFFFF, s16;
	[sflag:s14] =	ssyncadd.s32 $0xFFFFFF80  }
.Ltmp1:
0x29: {  	(pc) =	sbr.rel @p1 .LBB2_4-.Ltmp1, $3  }
0x2a: {  	_ =	sdelay $0x1  }
0x2b: {  	_ =	swait.ge [sflag:s14], $0x80  }
0x2c: {  	[sflag:s14] =	ssyncset.done $0x0  }
0x2d: {  	[sflag:s14] =	ssyncadd.s32 $0xFFFFFF80  }
0x2e: {  	s16 =	simm.s32 @!p0 $0x2AF8;
	s17 =	simm.s32 @!p0 $0x2;
	[bflag:$0x0] =	sbarrier.arrive $0xFFFF  }
0x2f: {  	[tilespmem:s16], [sflag:$0x2] =	stream.linear.gather @!p0 [spmem:s2], $0x2780, $0x38;
	[tilespmem:$0x5278] =	vst v63  }
0x30: {  	s15 =	sadd.s32 $0x1, s15;
	_ =	swait.ge @!p0 [sflag:s17], $0x2780  }
0x31: {  	p1 =	sne.s32 s15, s8;
	[sflag:s17] =	ssyncset.done @!p0 $0x0  }
.Ltmp2:
0x32: {  	s18 =	simm.s32 @!p0 $0x0;
	[sflag:s17] =	ssyncadd.s32 @!p0 $0xFFFFD880;
	(pc) =	sbr.rel @p1 .LBB2_1-.Ltmp2, $4  }
0x33: {  	[hbm4b:s7+s18] =	stream.linear.scatter @!p0 [tilespmem:s16], [sflag:$0x2], $0x2780, $0x38;
	[tilespmem:$0x5278] =	vst v63  }
0x34: {  	_ =	swait.ge @!p0 [sflag:s17], $0x2780  }
0x35: {  	[sflag:s17] =	ssyncset.done @!p0 $0x0  }
0x36: {  	[sflag:s17] =	ssyncadd.s32 @!p0 $0xFFFFD880  }
0x37: {  	_ =	sfence.sel $0x180000  }
0x38: {  	[bflag:$0x0] =	sbarrier.arrive $0xFFFF  }
0x39: {  	_ =	strace $0x90000047  }
0x3a: {  	s0 =	sadd.s32 @!p0 $0x100000, s0;
	[bflag:$0x2] =	sbarrier.arrive $0xFFFF  }
0x3b: {  	[sflag:s0] =	ssyncadd.tile.s32 @!p0 $0x1;
	_ =	shalt  }
.Lfunc_end2:
_tile_overlayer_lowered:
.L_overlay_start_2:
0x3c: {  	(tag) =	ssettag $0x2  }
0x3d: {  	s0 =	rddreg [dreg:$0x0];
	s2 =	stileid.u32  }
0x3e: {  	s1 =	rddreg [dreg:$0x1];
	p0 =	sne.s32 s2, $0x0  }
0x3f: {  	s3 =	rddreg [dreg:$0x2];
	[bflag:$0x3] =	sbarrier.arrive $0xFFFF;
	s2 =	simm.s32 @!p0 $0x1C02  }
0x40: {  	[timem:s3], [sflag:s2] =	dma.local @!p0 [hbm:s0], s1  }
0x41: {  	s0 =	simm.s32 @!p0 $0x2  }
0x42: {  	_ =	swait.ge @!p0 [sflag:s0], s1  }
0x43: {  	s1 =	ssub.s32 @!p0 $0x0, s1;
	[sflag:s0] =	ssyncset.done @!p0 $0x0  }
0x44: {  	[sflag:s0] =	ssyncadd.s32 @!p0 s1  }
0x45: {  	[bflag:$0x3] =	sbarrier.arrive $0xFFFF  }
0x46: {  	_ =	shalt  }

</sc_bundles>
